<compile_context>
chip_gen: v7x
topology: tpu7x:2x2x1
jax: 0.10.2.dev20260603
libtpu: 0.0.44.dev20260713+nightly
codegen_flags: <defaults>
</compile_context>

<pallas_src>
import functools

import jax
import jax.numpy as jnp
from jax import lax
from jax.experimental import pallas as pl
from jax.experimental.pallas import tpu as pltpu
from jax.experimental.pallas import tpu_sc as plsc

_OTHER = 24
_BEH = 2
_VOCAB = 100000
_D = 16
_L = 16
_NS = 16


def _din_gather(seq_t, item_t, wseq_t, wbeh_t):
    mesh = plsc.VectorSubcoreMesh(core_axis_name="c", subcore_axis_name="s",
                                  num_cores=1)

    @functools.partial(
        pl.kernel,
        mesh=mesh,
        out_type=[
            jax.ShapeDtypeStruct((_OTHER * _D,), jnp.float32),
            jax.ShapeDtypeStruct((_BEH * _D,), jnp.float32),
        ],
        scratch_types=[
            pltpu.VMEM((_OTHER, 128), jnp.int32),
            pltpu.VMEM((_BEH, 128), jnp.int32),
            pltpu.VMEM((_D, 128), jnp.float32),
            pltpu.VMEM((_D, 128), jnp.float32),
            pltpu.VMEM((_D,), jnp.float32),
            pltpu.VMEM((_D,), jnp.float32),
            pltpu.SemaphoreType.DMA,
            pltpu.SemaphoreType.DMA,
            pltpu.SemaphoreType.DMA,
        ],
        compiler_params=pltpu.CompilerParams(
            needs_layout_passes=False, disable_bounds_checks=True),
    )
    def k(seq_hbm, item_hbm, wseq_hbm, wbeh_hbm, seq_out, beh_out,
          idbuf, bidbuf, blk0, blk1, row0, row1, sem0, sem1, osem):
        wid = lax.axis_index("s")
        lanes = lax.iota(jnp.int32, _L)
        zeros = lanes * 0

        def fire(ids_ref, f, table_hbm, blk, sem):
            idv = plsc.load_gather(ids_ref, [jnp.full((_L,), f, jnp.int32),
                                             zeros])
            base = lax.shift_left(lax.shift_right_logical(idv, 7), 7)
            col = idv & 127
            base_s = pl.multiple_of(jnp.max(base), 128)
            cp = pltpu.async_copy(
                table_hbm.at[f, pl.ds(0, _D), pl.ds(base_s, 128)], blk, sem)
            return cp, col

        def finish(cp, blk, col, row_v, f, out_ref):
            cp.wait()
            row_v[...] = plsc.load_gather(blk, [lanes, col])
            off = pl.multiple_of(f * _D, _D)
            return pltpu.async_copy(row_v, out_ref.at[pl.ds(off, _D)], osem)

        pltpu.sync_copy(seq_hbm.at[0, pl.ds(0, _OTHER), pl.ds(0, 128)],
                        idbuf)
        cp0, col0 = fire(idbuf, wid, wseq_hbm, blk0, sem0)

        @pl.when(wid < _OTHER + _BEH - _NS)
        def _second():
            j = wid + _NS

            @pl.when(j < _OTHER)
            def _seq2():
                cp1, col1 = fire(idbuf, j, wseq_hbm, blk1, sem1)
                finish(cp1, blk1, col1, row1, j, seq_out).wait()

            @pl.when(j >= _OTHER)
            def _beh2():
                pltpu.sync_copy(item_hbm.at[0, pl.ds(0, _BEH), pl.ds(0, 128)],
                                bidbuf)
                cp1, col1 = fire(bidbuf, j - _OTHER, wbeh_hbm, blk1, sem1)
                finish(cp1, blk1, col1, row1, j - _OTHER, beh_out).wait()

        finish(cp0, blk0, col0, row0, wid, seq_out).wait()

    return k(seq_t, item_t, wseq_t, wbeh_t)


@jax.jit
def kernel(dense_inputs, sparse_inputs, seq_inputs, item_inputs, W_seq, W_beh):
    del dense_inputs, sparse_inputs
    seq_t = seq_inputs.astype(jnp.int32).transpose(1, 2, 0)
    item_t = item_inputs.astype(jnp.int32).transpose(1, 2, 0)
    wseq_t = W_seq.transpose(0, 2, 1)
    wbeh_t = W_beh.transpose(0, 2, 1)
    seq_embed, behavior_embedded = _din_gather(seq_t, item_t, wseq_t, wbeh_t)
    return seq_embed, behavior_embedded

# --- scband reference (transcript-rebuilt; emitter-appended) ---
"""Pipeline reference for scband-din-6794638262629 (READ-ONLY COPY).

The authoritative reference and input builder live on the scoring server;
editing this copy changes nothing except your own understanding.
"""

import jax, jax.numpy as jnp
import numpy as np

OTHER_SPARSE_LEN = 24
BEHAVIOR_LEN = 2
VOCAB = 100000
EMBED_DIM = 16
BATCH = 4096
MAXLEN = 50
DENSE_LEN = 13


def setup_inputs(seed: int = 0) -> dict:
    key = jax.random.key(seed)
    ks = jax.random.split(key, 6)
    dense_inputs = jax.random.normal(ks[0], (BATCH, DENSE_LEN), dtype=jnp.float32)
    sparse_inputs = jax.random.randint(ks[1], (BATCH, OTHER_SPARSE_LEN), 0, VOCAB)
    seq_inputs = jax.random.randint(ks[2], (BATCH, MAXLEN, OTHER_SPARSE_LEN), 0, VOCAB)
    item_inputs = jax.random.randint(ks[3], (BATCH, 1, BEHAVIOR_LEN), 0, VOCAB)
    # Embedding tables per sparse field (keras Embedding uses random_uniform init)
    W_seq = jax.random.uniform(ks[4], (OTHER_SPARSE_LEN, VOCAB, EMBED_DIM), minval=-0.05, maxval=0.05, dtype=jnp.float32)
    W_beh = jax.random.uniform(ks[5], (BEHAVIOR_LEN, VOCAB, EMBED_DIM), minval=-0.05, maxval=0.05, dtype=jnp.float32)
    return {
        "dense_inputs": dense_inputs,
        "sparse_inputs": sparse_inputs,
        "seq_inputs": seq_inputs,
        "item_inputs": item_inputs,
        "W_seq": W_seq,
        "W_beh": W_beh,
    }


def reference(dense_inputs, sparse_inputs, seq_inputs, item_inputs, W_seq, W_beh):
    # mask = tf.cast(tf.not_equal(seq_inputs[:, :, 0], 0), tf.float32)
    mask = jnp.asarray(seq_inputs[:, :, 0] != 0, dtype=jnp.float32)
    # seq_embed: the original code indexes a SCALAR seq_inputs[0, 0, i] per field
    # and concatenates each [embed_dim] lookup -> shape [other_sparse_len * embed_dim]
    seq_embed = jnp.concatenate(
        [jnp.take(W_seq[i], seq_inputs[0, 0, i], axis=0) for i in range(OTHER_SPARSE_LEN)],
        axis=-1,
    )
    # behavior_embedded: scalar item_inputs[0, 0, i] per behavior field -> [behavior_len * embed_dim]
    behavior_embedded = jnp.concatenate(
        [jnp.take(W_beh[i], item_inputs[0, 0, i], axis=0) for i in range(BEHAVIOR_LEN)],
        axis=-1,
    )
    # The original (truncated) call computes these and returns nothing; we return the
    # computed embedding tensors as the forward output.
    return (seq_embed, behavior_embedded)

if __name__ == "__main__":
    import jax
    _d = setup_inputs()
    print(jax.jit(kernel)(*tuple(_d.values())))

</pallas_src>

<mosaic_0001>
#map = affine_map<(d0, d1) -> (0, 0, 0)>
#map1 = affine_map<(d0, d1) -> (0)>
module attributes {stable_mosaic.version = 14 : i64} {
  func.func @k(%arg0: i32, %arg1: i32, %arg2: memref<50x24x4096xi32, #tpu.memory_space<hbm>>, %arg3: memref<1x2x4096xi32, #tpu.memory_space<hbm>>, %arg4: memref<24x16x100000xf32, #tpu.memory_space<hbm>>, %arg5: memref<2x16x100000xf32, #tpu.memory_space<hbm>>, %arg6: memref<384xf32, #tpu.memory_space<hbm>>, %arg7: memref<32xf32, #tpu.memory_space<hbm>>, %arg8: memref<24x128xi32, #tpu.memory_space<vmem>>, %arg9: memref<2x128xi32, #tpu.memory_space<vmem>>, %arg10: memref<16x128xf32, #tpu.memory_space<vmem>>, %arg11: memref<16x128xf32, #tpu.memory_space<vmem>>, %arg12: memref<16xf32, #tpu.memory_space<vmem>>, %arg13: memref<16xf32, #tpu.memory_space<vmem>>, %arg14: memref<!tpu.dma_semaphore, #tpu.memory_space<semaphore_mem>>, %arg15: memref<!tpu.dma_semaphore, #tpu.memory_space<semaphore_mem>>, %arg16: memref<!tpu.dma_semaphore, #tpu.memory_space<semaphore_mem>>) attributes {dimension_semantics = [#tpu.dimension_semantics<core_parallel>, #tpu.dimension_semantics<subcore_parallel>], iteration_bounds = array<i64: 1, 16>, scalar_prefetch = 0 : i64, scratch_operands = 9 : i64, tpu.core_type = #tpu.core_type<sc_vector_subcore>, window_params = [{transform_indices = #map}, {transform_indices = #map}, {transform_indices = #map}, {transform_indices = #map}, {transform_indices = #map1}, {transform_indices = #map1}]} {
    %iota3A = tpu.iota {dimensions = array<i32: 0>} : vector<16xi32>
    %mul3A = arith.constant 0 : i32
    %mul3A_0 = vector.broadcast %mul3A : i32 to vector<16xi32>
    %mul3A_1 = arith.muli %iota3A, %mul3A_0 : vector<16xi32>
    %run_scoped3A = arith.constant 0 : i32
    "tpu.region"() ({
      %run_scoped3A_36 = tpu.sem_alloc : memref<!tpu.dma_semaphore, #tpu.memory_space<semaphore_mem>>
      %dma_start3A_37 = arith.constant 0 : i32
      %dma_start3A_38 = arith.constant 0 : i32
      %dma_start3A_39 = tpu.memref_slice %arg2[%run_scoped3A, %dma_start3A_37, %dma_start3A_38] : memref<50x24x4096xi32, #tpu.memory_space<hbm>> -> memref<1x24x128xi32, #tpu.memory_space<hbm>>
      %dma_start3A_40 = tpu.memref_squeeze %dma_start3A_39 : memref<1x24x128xi32, #tpu.memory_space<hbm>> -> memref<24x128xi32, #tpu.memory_space<hbm>>
      %dma_start3A_41 = arith.constant 0 : i32
      %dma_start3A_42 = arith.constant 0 : i32
      %dma_start3A_43 = tpu.memref_slice %arg2[%run_scoped3A, %dma_start3A_41, %dma_start3A_42] : memref<50x24x4096xi32, #tpu.memory_space<hbm>> -> memref<1x24x128xi32, #tpu.memory_space<hbm>>
      %dma_start3A_44 = tpu.memref_squeeze %dma_start3A_43 : memref<1x24x128xi32, #tpu.memory_space<hbm>> -> memref<24x128xi32, #tpu.memory_space<hbm>>
      tpu.enqueue_dma source(%dma_start3A_44 : memref<24x128xi32, #tpu.memory_space<hbm>>) target(%arg8 : memref<24x128xi32, #tpu.memory_space<vmem>>) target_semaphore(%run_scoped3A_36 : memref<!tpu.dma_semaphore, #tpu.memory_space<semaphore_mem>>)
      %dma_wait3A_45 = arith.constant 0 : i32
      %dma_wait3A_46 = arith.constant 0 : i32
      %dma_wait3A_47 = tpu.memref_slice %arg2[%run_scoped3A, %dma_wait3A_45, %dma_wait3A_46] : memref<50x24x4096xi32, #tpu.memory_space<hbm>> -> memref<1x24x128xi32, #tpu.memory_space<hbm>>
      %dma_wait3A_48 = tpu.memref_squeeze %dma_wait3A_47 : memref<1x24x128xi32, #tpu.memory_space<hbm>> -> memref<24x128xi32, #tpu.memory_space<hbm>>
      %dma_wait3A_49 = arith.constant 0 : i32
      %dma_wait3A_50 = arith.constant 0 : i32
      %dma_wait3A_51 = tpu.memref_slice %arg2[%run_scoped3A, %dma_wait3A_49, %dma_wait3A_50] : memref<50x24x4096xi32, #tpu.memory_space<hbm>> -> memref<1x24x128xi32, #tpu.memory_space<hbm>>
      %dma_wait3A_52 = tpu.memref_squeeze %dma_wait3A_51 : memref<1x24x128xi32, #tpu.memory_space<hbm>> -> memref<24x128xi32, #tpu.memory_space<hbm>>
      tpu.wait_dma2 semaphore(%run_scoped3A_36 : memref<!tpu.dma_semaphore, #tpu.memory_space<semaphore_mem>>) src(%dma_wait3A_52 : memref<24x128xi32, #tpu.memory_space<hbm>>) dst(%arg8 : memref<24x128xi32, #tpu.memory_space<vmem>>)
      tpu.yield
    }) : () -> ()
    %broadcast_in_dim3A = vector.broadcast %arg1 : i32 to vector<16xi32>
    %gather3A = tpu.vector_load_idx %arg8[%broadcast_in_dim3A, %mul3A_1] : memref<24x128xi32, #tpu.memory_space<vmem>>[vector<16xi32>, vector<16xi32>], vector<16xi32>,
    %shift_right_logical3A = arith.constant 7 : i32
    %shift_right_logical3A_2 = vector.broadcast %shift_right_logical3A : i32 to vector<16xi32>
    %shift_right_logical3A_3 = arith.shrui %gather3A, %shift_right_logical3A_2 : vector<16xi32>
    %shift_left3A = arith.constant 7 : i32
    %shift_left3A_4 = vector.broadcast %shift_left3A : i32 to vector<16xi32>
    %shift_left3A_5 = arith.shli %shift_right_logical3A_3, %shift_left3A_4 : vector<16xi32>
    %and3A = arith.constant 127 : i32
    %and3A_6 = vector.broadcast %and3A : i32 to vector<16xi32>
    %and3A_7 = arith.andi %gather3A, %and3A_6 : vector<16xi32>
    %reduce_max3A = arith.constant true
    %reduce_max3A_8 = vector.broadcast %reduce_max3A : i1 to vector<16xi1>
    %reduce_max3A_9 = arith.constant -2147483648 : i32
    %reduce_max3A_10 = vector.broadcast %reduce_max3A_9 : i32 to vector<16xi32>
    %reduce_max3A_11 = arith.xori %shift_left3A_5, %reduce_max3A_10 : vector<16xi32>
    %reduce_max3A_12 = tpu.scan <max>, %reduce_max3A_11 masked %reduce_max3A_8 : vector<16xi32>, vector<16xi1> -> vector<16xi32>
    %reduce_max3A_13 = arith.xori %reduce_max3A_12, %reduce_max3A_10 : vector<16xi32>
    %reduce_max3A_14 = vector.extract %reduce_max3A_13[15] : i32 from vector<16xi32>
    %multiple_of3A = tpu.assume_multiple %reduce_max3A_14, 128 : i32
    %dma_start3A = arith.constant 0 : i32
    %dma_start3A_15 = tpu.memref_slice %arg4[%arg1, %dma_start3A, %multiple_of3A] : memref<24x16x100000xf32, #tpu.memory_space<hbm>> -> memref<1x16x128xf32, #tpu.memory_space<hbm>>
    %dma_start3A_16 = tpu.memref_squeeze %dma_start3A_15 : memref<1x16x128xf32, #tpu.memory_space<hbm>> -> memref<16x128xf32, #tpu.memory_space<hbm>>
    %dma_start3A_17 = arith.constant 0 : i32
    %dma_start3A_18 = tpu.memref_slice %arg4[%arg1, %dma_start3A_17, %multiple_of3A] : memref<24x16x100000xf32, #tpu.memory_space<hbm>> -> memref<1x16x128xf32, #tpu.memory_space<hbm>>
    %dma_start3A_19 = tpu.memref_squeeze %dma_start3A_18 : memref<1x16x128xf32, #tpu.memory_space<hbm>> -> memref<16x128xf32, #tpu.memory_space<hbm>>
    tpu.enqueue_dma source(%dma_start3A_19 : memref<16x128xf32, #tpu.memory_space<hbm>>) target(%arg10 : memref<16x128xf32, #tpu.memory_space<vmem>>) target_semaphore(%arg14 : memref<!tpu.dma_semaphore, #tpu.memory_space<semaphore_mem>>)
    %lt3A = arith.constant 10 : i32
    %lt3A_20 = arith.cmpi slt, %arg1, %lt3A : i32
    %convert_element_type3A = arith.extui %lt3A_20 : i1 to i32
    %cond3A = arith.constant 0 : i32
    %cond3A_21 = arith.cmpi ne, %convert_element_type3A, %cond3A : i32
    scf.if %cond3A_21 {
      %add3A = arith.constant 16 : i32
      %add3A_36 = arith.addi %arg1, %add3A : i32
      %lt3A_37 = arith.constant 24 : i32
      %lt3A_38 = arith.cmpi slt, %add3A_36, %lt3A_37 : i32
      %convert_element_type3A_39 = arith.extui %lt3A_38 : i1 to i32
      %cond3A_40 = arith.constant 0 : i32
      %cond3A_41 = arith.cmpi ne, %convert_element_type3A_39, %cond3A_40 : i32
      scf.if %cond3A_41 {
        %broadcast_in_dim3A_46 = vector.broadcast %add3A_36 : i32 to vector<16xi32>
        %gather3A_47 = tpu.vector_load_idx %arg8[%broadcast_in_dim3A_46, %mul3A_1] : memref<24x128xi32, #tpu.memory_space<vmem>>[vector<16xi32>, vector<16xi32>], vector<16xi32>,
        %shift_right_logical3A_48 = arith.constant 7 : i32
        %shift_right_logical3A_49 = vector.broadcast %shift_right_logical3A_48 : i32 to vector<16xi32>
        %shift_right_logical3A_50 = arith.shrui %gather3A_47, %shift_right_logical3A_49 : vector<16xi32>
        %shift_left3A_51 = arith.constant 7 : i32
        %shift_left3A_52 = vector.broadcast %shift_left3A_51 : i32 to vector<16xi32>
        %shift_left3A_53 = arith.shli %shift_right_logical3A_50, %shift_left3A_52 : vector<16xi32>
        %and3A_54 = arith.constant 127 : i32
        %and3A_55 = vector.broadcast %and3A_54 : i32 to vector<16xi32>
        %and3A_56 = arith.andi %gather3A_47, %and3A_55 : vector<16xi32>
        %reduce_max3A_57 = arith.constant true
        %reduce_max3A_58 = vector.broadcast %reduce_max3A_57 : i1 to vector<16xi1>
        %reduce_max3A_59 = arith.constant -2147483648 : i32
        %reduce_max3A_60 = vector.broadcast %reduce_max3A_59 : i32 to vector<16xi32>
        %reduce_max3A_61 = arith.xori %shift_left3A_53, %reduce_max3A_60 : vector<16xi32>
        %reduce_max3A_62 = tpu.scan <max>, %reduce_max3A_61 masked %reduce_max3A_58 : vector<16xi32>, vector<16xi1> -> vector<16xi32>
        %reduce_max3A_63 = arith.xori %reduce_max3A_62, %reduce_max3A_60 : vector<16xi32>
        %reduce_max3A_64 = vector.extract %reduce_max3A_63[15] : i32 from vector<16xi32>
        %multiple_of3A_65 = tpu.assume_multiple %reduce_max3A_64, 128 : i32
        %dma_start3A_66 = arith.constant 0 : i32
        %dma_start3A_67 = tpu.memref_slice %arg4[%add3A_36, %dma_start3A_66, %multiple_of3A_65] : memref<24x16x100000xf32, #tpu.memory_space<hbm>> -> memref<1x16x128xf32, #tpu.memory_space<hbm>>
        %dma_start3A_68 = tpu.memref_squeeze %dma_start3A_67 : memref<1x16x128xf32, #tpu.memory_space<hbm>> -> memref<16x128xf32, #tpu.memory_space<hbm>>
        %dma_start3A_69 = arith.constant 0 : i32
        %dma_start3A_70 = tpu.memref_slice %arg4[%add3A_36, %dma_start3A_69, %multiple_of3A_65] : memref<24x16x100000xf32, #tpu.memory_space<hbm>> -> memref<1x16x128xf32, #tpu.memory_space<hbm>>
        %dma_start3A_71 = tpu.memref_squeeze %dma_start3A_70 : memref<1x16x128xf32, #tpu.memory_space<hbm>> -> memref<16x128xf32, #tpu.memory_space<hbm>>
        tpu.enqueue_dma source(%dma_start3A_71 : memref<16x128xf32, #tpu.memory_space<hbm>>) target(%arg11 : memref<16x128xf32, #tpu.memory_space<vmem>>) target_semaphore(%arg15 : memref<!tpu.dma_semaphore, #tpu.memory_space<semaphore_mem>>)
        %dma_wait3A_72 = arith.constant 0 : i32
        %dma_wait3A_73 = tpu.memref_slice %arg4[%add3A_36, %dma_wait3A_72, %multiple_of3A_65] : memref<24x16x100000xf32, #tpu.memory_space<hbm>> -> memref<1x16x128xf32, #tpu.memory_space<hbm>>
        %dma_wait3A_74 = tpu.memref_squeeze %dma_wait3A_73 : memref<1x16x128xf32, #tpu.memory_space<hbm>> -> memref<16x128xf32, #tpu.memory_space<hbm>>
        %dma_wait3A_75 = arith.constant 0 : i32
        %dma_wait3A_76 = tpu.memref_slice %arg4[%add3A_36, %dma_wait3A_75, %multiple_of3A_65] : memref<24x16x100000xf32, #tpu.memory_space<hbm>> -> memref<1x16x128xf32, #tpu.memory_space<hbm>>
        %dma_wait3A_77 = tpu.memref_squeeze %dma_wait3A_76 : memref<1x16x128xf32, #tpu.memory_space<hbm>> -> memref<16x128xf32, #tpu.memory_space<hbm>>
        tpu.wait_dma2 semaphore(%arg15 : memref<!tpu.dma_semaphore, #tpu.memory_space<semaphore_mem>>) src(%dma_wait3A_77 : memref<16x128xf32, #tpu.memory_space<hbm>>) dst(%arg11 : memref<16x128xf32, #tpu.memory_space<vmem>>)
        %gather3A_78 = tpu.vector_load_idx %arg11[%iota3A, %and3A_56] : memref<16x128xf32, #tpu.memory_space<vmem>>[vector<16xi32>, vector<16xi32>], vector<16xf32>,
        %swap3A_79 = arith.constant 0 : index
        %swap3A_80 = tpu.vector_load %arg13[%swap3A_79] {strides = array<i32>} : memref<16xf32, #tpu.memory_space<vmem>>, vector<16xf32>,
        tpu.vector_store %arg13[%swap3A_79], %gather3A_78 {strides = array<i32>} : memref<16xf32, #tpu.memory_space<vmem>>, vector<16xf32>,
        %mul3A_81 = arith.constant 16 : i32
        %mul3A_82 = arith.muli %add3A_36, %mul3A_81 : i32
        %multiple_of3A_83 = tpu.assume_multiple %mul3A_82, 16 : i32
        %dma_start3A_84 = tpu.memref_slice %arg6[%multiple_of3A_83] : memref<384xf32, #tpu.memory_space<hbm>> -> memref<16xf32, #tpu.memory_space<hbm>>
        %dma_start3A_85 = tpu.memref_slice %arg6[%multiple_of3A_83] : memref<384xf32, #tpu.memory_space<hbm>> -> memref<16xf32, #tpu.memory_space<hbm>>
        tpu.enqueue_dma source(%arg13 : memref<16xf32, #tpu.memory_space<vmem>>) target(%dma_start3A_85 : memref<16xf32, #tpu.memory_space<hbm>>) target_semaphore(%arg16 : memref<!tpu.dma_semaphore, #tpu.memory_space<semaphore_mem>>)
        %dma_wait3A_86 = tpu.memref_slice %arg6[%multiple_of3A_83] : memref<384xf32, #tpu.memory_space<hbm>> -> memref<16xf32, #tpu.memory_space<hbm>>
        %dma_wait3A_87 = tpu.memref_slice %arg6[%multiple_of3A_83] : memref<384xf32, #tpu.memory_space<hbm>> -> memref<16xf32, #tpu.memory_space<hbm>>
        tpu.wait_dma2 semaphore(%arg16 : memref<!tpu.dma_semaphore, #tpu.memory_space<semaphore_mem>>) src(%arg13 : memref<16xf32, #tpu.memory_space<vmem>>) dst(%dma_wait3A_87 : memref<16xf32, #tpu.memory_space<hbm>>)
      } else {
      }
      %ge3A = arith.constant 24 : i32
      %ge3A_42 = arith.cmpi sge, %add3A_36, %ge3A : i32
      %convert_element_type3A_43 = arith.extui %ge3A_42 : i1 to i32
      %cond3A_44 = arith.constant 0 : i32
      %cond3A_45 = arith.cmpi ne, %convert_element_type3A_43, %cond3A_44 : i32
      scf.if %cond3A_45 {
        %run_scoped3A_46 = arith.constant 0 : i32
        "tpu.region"() ({
          %run_scoped3A_92 = tpu.sem_alloc : memref<!tpu.dma_semaphore, #tpu.memory_space<semaphore_mem>>
          %dma_start3A_93 = arith.constant 0 : i32
          %dma_start3A_94 = arith.constant 0 : i32
          %dma_start3A_95 = tpu.memref_slice %arg3[%run_scoped3A_46, %dma_start3A_93, %dma_start3A_94] : memref<1x2x4096xi32, #tpu.memory_space<hbm>> -> memref<1x2x128xi32, #tpu.memory_space<hbm>>
          %dma_start3A_96 = tpu.memref_squeeze %dma_start3A_95 : memref<1x2x128xi32, #tpu.memory_space<hbm>> -> memref<2x128xi32, #tpu.memory_space<hbm>>
          %dma_start3A_97 = arith.constant 0 : i32
          %dma_start3A_98 = arith.constant 0 : i32
          %dma_start3A_99 = tpu.memref_slice %arg3[%run_scoped3A_46, %dma_start3A_97, %dma_start3A_98] : memref<1x2x4096xi32, #tpu.memory_space<hbm>> -> memref<1x2x128xi32, #tpu.memory_space<hbm>>
          %dma_start3A_100 = tpu.memref_squeeze %dma_start3A_99 : memref<1x2x128xi32, #tpu.memory_space<hbm>> -> memref<2x128xi32, #tpu.memory_space<hbm>>
          tpu.enqueue_dma source(%dma_start3A_100 : memref<2x128xi32, #tpu.memory_space<hbm>>) target(%arg9 : memref<2x128xi32, #tpu.memory_space<vmem>>) target_semaphore(%run_scoped3A_92 : memref<!tpu.dma_semaphore, #tpu.memory_space<semaphore_mem>>)
          %dma_wait3A_101 = arith.constant 0 : i32
          %dma_wait3A_102 = arith.constant 0 : i32
          %dma_wait3A_103 = tpu.memref_slice %arg3[%run_scoped3A_46, %dma_wait3A_101, %dma_wait3A_102] : memref<1x2x4096xi32, #tpu.memory_space<hbm>> -> memref<1x2x128xi32, #tpu.memory_space<hbm>>
          %dma_wait3A_104 = tpu.memref_squeeze %dma_wait3A_103 : memref<1x2x128xi32, #tpu.memory_space<hbm>> -> memref<2x128xi32, #tpu.memory_space<hbm>>
          %dma_wait3A_105 = arith.constant 0 : i32
          %dma_wait3A_106 = arith.constant 0 : i32
          %dma_wait3A_107 = tpu.memref_slice %arg3[%run_scoped3A_46, %dma_wait3A_105, %dma_wait3A_106] : memref<1x2x4096xi32, #tpu.memory_space<hbm>> -> memref<1x2x128xi32, #tpu.memory_space<hbm>>
          %dma_wait3A_108 = tpu.memref_squeeze %dma_wait3A_107 : memref<1x2x128xi32, #tpu.memory_space<hbm>> -> memref<2x128xi32, #tpu.memory_space<hbm>>
          tpu.wait_dma2 semaphore(%run_scoped3A_92 : memref<!tpu.dma_semaphore, #tpu.memory_space<semaphore_mem>>) src(%dma_wait3A_108 : memref<2x128xi32, #tpu.memory_space<hbm>>) dst(%arg9 : memref<2x128xi32, #tpu.memory_space<vmem>>)
          tpu.yield
        }) : () -> ()
        %sub3A = arith.constant 24 : i32
        %sub3A_47 = arith.subi %add3A_36, %sub3A : i32
        %broadcast_in_dim3A_48 = vector.broadcast %sub3A_47 : i32 to vector<16xi32>
        %gather3A_49 = tpu.vector_load_idx %arg9[%broadcast_in_dim3A_48, %mul3A_1] : memref<2x128xi32, #tpu.memory_space<vmem>>[vector<16xi32>, vector<16xi32>], vector<16xi32>,
        %shift_right_logical3A_50 = arith.constant 7 : i32
        %shift_right_logical3A_51 = vector.broadcast %shift_right_logical3A_50 : i32 to vector<16xi32>
        %shift_right_logical3A_52 = arith.shrui %gather3A_49, %shift_right_logical3A_51 : vector<16xi32>
        %shift_left3A_53 = arith.constant 7 : i32
        %shift_left3A_54 = vector.broadcast %shift_left3A_53 : i32 to vector<16xi32>
        %shift_left3A_55 = arith.shli %shift_right_logical3A_52, %shift_left3A_54 : vector<16xi32>
        %and3A_56 = arith.constant 127 : i32
        %and3A_57 = vector.broadcast %and3A_56 : i32 to vector<16xi32>
        %and3A_58 = arith.andi %gather3A_49, %and3A_57 : vector<16xi32>
        %reduce_max3A_59 = arith.constant true
        %reduce_max3A_60 = vector.broadcast %reduce_max3A_59 : i1 to vector<16xi1>
        %reduce_max3A_61 = arith.constant -2147483648 : i32
        %reduce_max3A_62 = vector.broadcast %reduce_max3A_61 : i32 to vector<16xi32>
        %reduce_max3A_63 = arith.xori %shift_left3A_55, %reduce_max3A_62 : vector<16xi32>
        %reduce_max3A_64 = tpu.scan <max>, %reduce_max3A_63 masked %reduce_max3A_60 : vector<16xi32>, vector<16xi1> -> vector<16xi32>
        %reduce_max3A_65 = arith.xori %reduce_max3A_64, %reduce_max3A_62 : vector<16xi32>
        %reduce_max3A_66 = vector.extract %reduce_max3A_65[15] : i32 from vector<16xi32>
        %multiple_of3A_67 = tpu.assume_multiple %reduce_max3A_66, 128 : i32
        %dma_start3A_68 = arith.constant 0 : i32
        %dma_start3A_69 = tpu.memref_slice %arg5[%sub3A_47, %dma_start3A_68, %multiple_of3A_67] : memref<2x16x100000xf32, #tpu.memory_space<hbm>> -> memref<1x16x128xf32, #tpu.memory_space<hbm>>
        %dma_start3A_70 = tpu.memref_squeeze %dma_start3A_69 : memref<1x16x128xf32, #tpu.memory_space<hbm>> -> memref<16x128xf32, #tpu.memory_space<hbm>>
        %dma_start3A_71 = arith.constant 0 : i32
        %dma_start3A_72 = tpu.memref_slice %arg5[%sub3A_47, %dma_start3A_71, %multiple_of3A_67] : memref<2x16x100000xf32, #tpu.memory_space<hbm>> -> memref<1x16x128xf32, #tpu.memory_space<hbm>>
        %dma_start3A_73 = tpu.memref_squeeze %dma_start3A_72 : memref<1x16x128xf32, #tpu.memory_space<hbm>> -> memref<16x128xf32, #tpu.memory_space<hbm>>
        tpu.enqueue_dma source(%dma_start3A_73 : memref<16x128xf32, #tpu.memory_space<hbm>>) target(%arg11 : memref<16x128xf32, #tpu.memory_space<vmem>>) target_semaphore(%arg15 : memref<!tpu.dma_semaphore, #tpu.memory_space<semaphore_mem>>)
        %sub3A_74 = arith.constant 24 : i32
        %sub3A_75 = arith.subi %add3A_36, %sub3A_74 : i32
        %dma_wait3A_76 = arith.constant 0 : i32
        %dma_wait3A_77 = tpu.memref_slice %arg5[%sub3A_47, %dma_wait3A_76, %multiple_of3A_67] : memref<2x16x100000xf32, #tpu.memory_space<hbm>> -> memref<1x16x128xf32, #tpu.memory_space<hbm>>
        %dma_wait3A_78 = tpu.memref_squeeze %dma_wait3A_77 : memref<1x16x128xf32, #tpu.memory_space<hbm>> -> memref<16x128xf32, #tpu.memory_space<hbm>>
        %dma_wait3A_79 = arith.constant 0 : i32
        %dma_wait3A_80 = tpu.memref_slice %arg5[%sub3A_47, %dma_wait3A_79, %multiple_of3A_67] : memref<2x16x100000xf32, #tpu.memory_space<hbm>> -> memref<1x16x128xf32, #tpu.memory_space<hbm>>
        %dma_wait3A_81 = tpu.memref_squeeze %dma_wait3A_80 : memref<1x16x128xf32, #tpu.memory_space<hbm>> -> memref<16x128xf32, #tpu.memory_space<hbm>>
        tpu.wait_dma2 semaphore(%arg15 : memref<!tpu.dma_semaphore, #tpu.memory_space<semaphore_mem>>) src(%dma_wait3A_81 : memref<16x128xf32, #tpu.memory_space<hbm>>) dst(%arg11 : memref<16x128xf32, #tpu.memory_space<vmem>>)
        %gather3A_82 = tpu.vector_load_idx %arg11[%iota3A, %and3A_58] : memref<16x128xf32, #tpu.memory_space<vmem>>[vector<16xi32>, vector<16xi32>], vector<16xf32>,
        %swap3A_83 = arith.constant 0 : index
        %swap3A_84 = tpu.vector_load %arg13[%swap3A_83] {strides = array<i32>} : memref<16xf32, #tpu.memory_space<vmem>>, vector<16xf32>,
        tpu.vector_store %arg13[%swap3A_83], %gather3A_82 {strides = array<i32>} : memref<16xf32, #tpu.memory_space<vmem>>, vector<16xf32>,
        %mul3A_85 = arith.constant 16 : i32
        %mul3A_86 = arith.muli %sub3A_75, %mul3A_85 : i32
        %multiple_of3A_87 = tpu.assume_multiple %mul3A_86, 16 : i32
        %dma_start3A_88 = tpu.memref_slice %arg7[%multiple_of3A_87] : memref<32xf32, #tpu.memory_space<hbm>> -> memref<16xf32, #tpu.memory_space<hbm>>
        %dma_start3A_89 = tpu.memref_slice %arg7[%multiple_of3A_87] : memref<32xf32, #tpu.memory_space<hbm>> -> memref<16xf32, #tpu.memory_space<hbm>>
        tpu.enqueue_dma source(%arg13 : memref<16xf32, #tpu.memory_space<vmem>>) target(%dma_start3A_89 : memref<16xf32, #tpu.memory_space<hbm>>) target_semaphore(%arg16 : memref<!tpu.dma_semaphore, #tpu.memory_space<semaphore_mem>>)
        %dma_wait3A_90 = tpu.memref_slice %arg7[%multiple_of3A_87] : memref<32xf32, #tpu.memory_space<hbm>> -> memref<16xf32, #tpu.memory_space<hbm>>
        %dma_wait3A_91 = tpu.memref_slice %arg7[%multiple_of3A_87] : memref<32xf32, #tpu.memory_space<hbm>> -> memref<16xf32, #tpu.memory_space<hbm>>
        tpu.wait_dma2 semaphore(%arg16 : memref<!tpu.dma_semaphore, #tpu.memory_space<semaphore_mem>>) src(%arg13 : memref<16xf32, #tpu.memory_space<vmem>>) dst(%dma_wait3A_91 : memref<16xf32, #tpu.memory_space<hbm>>)
      } else {
      }
    } else {
    }
    %dma_wait3A = arith.constant 0 : i32
    %dma_wait3A_22 = tpu.memref_slice %arg4[%arg1, %dma_wait3A, %multiple_of3A] : memref<24x16x100000xf32, #tpu.memory_space<hbm>> -> memref<1x16x128xf32, #tpu.memory_space<hbm>>
    %dma_wait3A_23 = tpu.memref_squeeze %dma_wait3A_22 : memref<1x16x128xf32, #tpu.memory_space<hbm>> -> memref<16x128xf32, #tpu.memory_space<hbm>>
    %dma_wait3A_24 = arith.constant 0 : i32
    %dma_wait3A_25 = tpu.memref_slice %arg4[%arg1, %dma_wait3A_24, %multiple_of3A] : memref<24x16x100000xf32, #tpu.memory_space<hbm>> -> memref<1x16x128xf32, #tpu.memory_space<hbm>>
    %dma_wait3A_26 = tpu.memref_squeeze %dma_wait3A_25 : memref<1x16x128xf32, #tpu.memory_space<hbm>> -> memref<16x128xf32, #tpu.memory_space<hbm>>
    tpu.wait_dma2 semaphore(%arg14 : memref<!tpu.dma_semaphore, #tpu.memory_space<semaphore_mem>>) src(%dma_wait3A_26 : memref<16x128xf32, #tpu.memory_space<hbm>>) dst(%arg10 : memref<16x128xf32, #tpu.memory_space<vmem>>)
    %gather3A_27 = tpu.vector_load_idx %arg10[%iota3A, %and3A_7] : memref<16x128xf32, #tpu.memory_space<vmem>>[vector<16xi32>, vector<16xi32>], vector<16xf32>,
    %swap3A = arith.constant 0 : index
    %swap3A_28 = tpu.vector_load %arg12[%swap3A] {strides = array<i32>} : memref<16xf32, #tpu.memory_space<vmem>>, vector<16xf32>,
    tpu.vector_store %arg12[%swap3A], %gather3A_27 {strides = array<i32>} : memref<16xf32, #tpu.memory_space<vmem>>, vector<16xf32>,
    %mul3A_29 = arith.constant 16 : i32
    %mul3A_30 = arith.muli %arg1, %mul3A_29 : i32
    %multiple_of3A_31 = tpu.assume_multiple %mul3A_30, 16 : i32
    %dma_start3A_32 = tpu.memref_slice %arg6[%multiple_of3A_31] : memref<384xf32, #tpu.memory_space<hbm>> -> memref<16xf32, #tpu.memory_space<hbm>>
    %dma_start3A_33 = tpu.memref_slice %arg6[%multiple_of3A_31] : memref<384xf32, #tpu.memory_space<hbm>> -> memref<16xf32, #tpu.memory_space<hbm>>
    tpu.enqueue_dma source(%arg12 : memref<16xf32, #tpu.memory_space<vmem>>) target(%dma_start3A_33 : memref<16xf32, #tpu.memory_space<hbm>>) target_semaphore(%arg16 : memref<!tpu.dma_semaphore, #tpu.memory_space<semaphore_mem>>)
    %dma_wait3A_34 = tpu.memref_slice %arg6[%multiple_of3A_31] : memref<384xf32, #tpu.memory_space<hbm>> -> memref<16xf32, #tpu.memory_space<hbm>>
    %dma_wait3A_35 = tpu.memref_slice %arg6[%multiple_of3A_31] : memref<384xf32, #tpu.memory_space<hbm>> -> memref<16xf32, #tpu.memory_space<hbm>>
    tpu.wait_dma2 semaphore(%arg16 : memref<!tpu.dma_semaphore, #tpu.memory_space<semaphore_mem>>) src(%arg12 : memref<16xf32, #tpu.memory_space<vmem>>) dst(%dma_wait3A_35 : memref<16xf32, #tpu.memory_space<hbm>>)
    return
  }
}

</mosaic_0001>

<sc_bundles>
// kernel: kernel.3.cloned.1.call-start
scs
__scs_entry_jumppad:
0x0: {  	(pc) =	sbr.rel $0x88, $3  }
0x1: {  	(tag) =	ssettag $0x0;
	lr =	simm.s32 $0x1  }
0x2: {  	[smem:$0x3F9D] =	sst lr;
	_ =	strace $0xD0000000  }
0x3: {  	_ = 	snop  }
0x4: {  	_ = 	snop  }
0x5: {  	_ = 	snop  }
0x6: {  	_ = 	snop  }
0x7: {  	_ = 	snop  }
__scs_overlays_trampoline_lowered:
0x8: {  	[smem:$0x3FAC] =	sst s0  }
0x9: {  	[smem:$0x3FAD] =	sst s1  }
0xa: {  	[smem:$0x3FAE] =	sst s2  }
0xb: {  	[smem:$0x3FAF] =	sst s3  }
0xc: {  	[smem:$0x3FB0] =	sst s4  }
0xd: {  	[smem:$0x3FB1] =	sst s5  }
0xe: {  	[smem:$0x3FB2] =	sst s6  }
0xf: {  	[smem:$0x3FB3] =	sst s7  }
0x10: {  	[smem:$0x3FB4] =	sst s8  }
0x11: {  	[smem:$0x3FB5] =	sst s9;
	s0 =	simm.s32 @!p0 $0x0  }
0x12: {  	s1 =	sld [smem:$0x3F9B];
	s0 =	simm.s32 @p0 $0x1  }
0x13: {  	[smem:$0x3FB6] =	sst s0;
	s0 =	simm.s32 @!p1 $0x0  }
0x14: {  	s2 =	sld [smem:$0x3F9A];
	s0 =	simm.s32 @p1 $0x1  }
0x15: {  	[smem:$0x3FB7] =	sst s0;
	s0 =	simm.s32 @!p2 $0x0  }
0x16: {  	s3 =	sld [smem:$0x3FDB];
	s0 =	simm.s32 @p2 $0x1  }
0x17: {  	s4 =	simm.s32 $0x1BF5;
	[smem:$0x3FB9] =	sst s0  }
0x18: {  	s0 =	sld [smem:$0x3F9C];
	_ =	swait.ge [sflag:s4], $0x0  }
0x19: {  	s7 =	sld [smem:$0x3F9D]  }
0x1a: {  	s8 =	sadd.s32 $0xFFFFE003, lr  }
0x1b: {  	s9 =	sadd.s32 $0xFFFFFEF7, lr;
	s5 =	simm.s32 $0xFFFFFFFF;
	p2 =	slt.u32 s8, $0xFFFFF086  }
0x1c: {  	p1 =	slt.u32 s9, $0xF7A;
	s5 =	simm.s32 @!p2 $0x0  }
0x1d: {  	s5 =	simm.s32 @p1 $0x1;
	p0 =	seq.s32 s7, s2  }
0x1e: {  	s7 =	smul.u32 @!p0 $0xF7A, s2;
	p2 =	seq.s32 @!p0 s5, $0x0  }
0x1f: {  	s9 =	smul.u32 $0xF7A, s1;
	s8 =	simm.s32 @!p0 $0x1BF5;
	p2 =	por !p2, p0  }
0x20: {  	[sflag:s8] =	ssyncset.s32 @!p0 $0xFFFFF086;
	s6 =	sadd.s32 @!p0 s3, s7;
	s7 =	simm.s32 @!p0 $0x108  }
0x21: {  	s3 =	sadd.s32 s3, s9;
	s6 =	sadd.s32 @!p0 $0x88, s6;
	s7 =	simm.s32 @p2 $0x1082  }
0x22: {  	[simem:s7], [sflag:s8] =	dma.local @!p0 [hbm:s6], $0xF7A  }
0x23: {  	s9 =	sor.u32 $0xD0000000, s2;
	s6 =	simm.s32 $0x108;
	_ =	swait.ge @!p0 [sflag:s8], $0x0  }
0x24: {  	s3 =	sadd.s32 $0x88, s3;
	s6 =	simm.s32 @!p1 $0x1082;
	[sflag:s4] =	ssyncset.s32 $0xFFFFF086  }
0x25: {  	[simem:s6], [sflag:s4] =	dma.local [hbm:s3], $0xF7A  }
0x26: {  	[smem:$0x3F9D] =	sst s1;
	(tag) =	ssettag s2;
	_ =	strace s9  }
0x27: {  	s1 =	sld [smem:$0x3FAD]  }
0x28: {  	s2 =	sld [smem:$0x3FAE]  }
0x29: {  	s4 =	sld [smem:$0x3FB0]  }
0x2a: {  	p0 =	seq.s32 s5, $0x0;
	s5 =	sld [smem:$0x3FB1]  }
0x2b: {  	s6 =	sld [smem:$0x3FB2]  }
0x2c: {  	s7 =	sld [smem:$0x3FB3]  }
0x2d: {  	s3 =	simm.s32 $0x108;
	s8 =	sld [smem:$0x3FB4]  }
0x2e: {  	s3 =	simm.s32 @!p0 $0x1082;
	s9 =	sld [smem:$0x3FB5]  }
0x2f: {  	lr =	sadd.s32 s0, s3;
	s0 =	sld [smem:$0x3FAC]  }
0x30: {  	s3 =	sld [smem:$0x3FAF]  }
0x31: {  	[smem:$0x3FB8] =	sst s10  }
0x32: {  	s10 =	sld [smem:$0x3FB6];
	_ =	sdelay $0x3  }
0x33: {  	p0 =	seq.s32 s10, $0x1;
	s10 =	sld [smem:$0x3FB8];
	_ =	sdelay $0x3  }
0x34: {  	[smem:$0x3FB8] =	sst s10  }
0x35: {  	s10 =	sld [smem:$0x3FB7];
	_ =	sdelay $0x3  }
0x36: {  	p1 =	seq.s32 s10, $0x1;
	s10 =	sld [smem:$0x3FB8];
	_ =	sdelay $0x3  }
0x37: {  	[smem:$0x3FB8] =	sst s10  }
0x38: {  	s10 =	sld [smem:$0x3FB9]  }
0x39: {  	_ = 	snop;
	(pc) =	sbr.ind lr, $3  }
0x3a: {  	_ = 	snop  }
0x3b: {  	_ = 	snop  }
0x3c: {  	p2 =	seq.s32 s10, $0x1;
	s10 =	sld [smem:$0x3FB8]  }
0x3d: {  	_ =	shalt  }
0x3e: {  	_ =	shalt  }
0x3f: {  	_ =	shalt  }
0x40: {  	_ =	shalt  }
0x41: {  	_ =	shalt  }
0x42: {  	_ =	shalt  }
0x43: {  	_ =	shalt  }
0x44: {  	_ =	shalt  }
0x45: {  	_ =	shalt  }
0x46: {  	_ =	shalt  }
0x47: {  	_ =	shalt  }
0x48: {  	_ =	shalt  }
0x49: {  	_ =	shalt  }
0x4a: {  	_ =	shalt  }
0x4b: {  	_ =	shalt  }
0x4c: {  	_ =	shalt  }
0x4d: {  	_ =	shalt  }
0x4e: {  	_ =	shalt  }
0x4f: {  	_ =	shalt  }
0x50: {  	_ =	shalt  }
0x51: {  	_ =	shalt  }
0x52: {  	_ =	shalt  }
0x53: {  	_ =	shalt  }
0x54: {  	_ =	shalt  }
0x55: {  	_ =	shalt  }
0x56: {  	_ =	shalt  }
0x57: {  	_ =	shalt  }
0x58: {  	_ =	shalt  }
0x59: {  	_ =	shalt  }
0x5a: {  	_ =	shalt  }
0x5b: {  	_ =	shalt  }
0x5c: {  	_ =	shalt  }
0x5d: {  	_ =	shalt  }
0x5e: {  	_ =	shalt  }
0x5f: {  	_ =	shalt  }
0x60: {  	_ =	shalt  }
0x61: {  	_ =	shalt  }
0x62: {  	_ =	shalt  }
0x63: {  	_ =	shalt  }
0x64: {  	_ =	shalt  }
0x65: {  	_ =	shalt  }
0x66: {  	_ =	shalt  }
0x67: {  	_ =	shalt  }
0x68: {  	_ =	shalt  }
0x69: {  	_ =	shalt  }
0x6a: {  	_ =	shalt  }
0x6b: {  	_ =	shalt  }
0x6c: {  	_ =	shalt  }
0x6d: {  	_ =	shalt  }
0x6e: {  	_ =	shalt  }
0x6f: {  	_ =	shalt  }
0x70: {  	_ =	shalt  }
0x71: {  	_ =	shalt  }
0x72: {  	_ =	shalt  }
0x73: {  	_ =	shalt  }
0x74: {  	_ =	shalt  }
0x75: {  	_ =	shalt  }
0x76: {  	_ =	shalt  }
0x77: {  	_ =	shalt  }
0x78: {  	_ =	shalt  }
0x79: {  	_ =	shalt  }
0x7a: {  	_ =	shalt  }
0x7b: {  	_ =	shalt  }
0x7c: {  	_ =	shalt  }
0x7d: {  	_ =	shalt  }
0x7e: {  	_ =	shalt  }
0x7f: {  	_ =	shalt  }
0x80: {  	_ =	shalt  }
0x81: {  	_ =	shalt  }
0x82: {  	_ =	shalt  }
0x83: {  	_ =	shalt  }
0x84: {  	_ =	shalt  }
0x85: {  	_ =	shalt  }
0x86: {  	_ =	shalt  }
0x87: {  	_ =	shalt  }
.Lfunc_end0:
.L_simem_size_0:
called_computation_lowered:
.L_overlay_start_0:
0x88: {  	s0 =	sld [smem:$0x3FD9]  }
0x89: {  	s1 =	sld [smem:$0x3FFE];
	_ =	sdelay $0x3  }
0x8a: {  	s0 =	sadd.s32 s1, s0  }
0x8b: {  	[smem:$0x3FC4] =	sst s0  }
0x8c: {  	_ = 	snop  }
0x8d: {  	s0 =	sld [smem:$0x3FC9]  }
0x8e: {  	s14 =	sld [smem:$0x3FD0]  }
0x8f: {  	s2 =	sld [smem:$0x3FC8]  }
0x90: {  	s3 =	sld [smem:$0x3FC7]  }
0x91: {  	s5 =	simm.s32 $0xA;
	s6 =	simm.s32 $0x10;
	s4 =	sld [smem:$0x3FC6]  }
0x92: {  	[smem:s6], [sflag:s5] =	dma.local [hbm:s14], $0x1  }
0x93: {  	_ =	swait.eq [sflag:s5], $0x1  }
0x94: {  	[sflag:s5] =	ssyncset.done $0x0  }
0x95: {  	s15 =	sld [smem:$0x10];
	[sflag:s5] =	ssyncadd.s32 $0xFFFFFFFF  }
0x96: {  	s16 =	sld [smem:$0x11];
	(tm) =	ssettm $0x1  }
0x97: {  	s17 =	sld [smem:$0x3FFB];
	_ =	sdelay $0x3  }
0x98: {  	_ =	strace s17  }
0x99: {  	s6 =	sld [smem:$0x3FFC];
	_ =	sdelay $0x3  }
0x9a: {  	_ =	strace s6  }
0x9b: {  	s6 =	sld [smem:$0x3FFD];
	_ =	sdelay $0x3  }
0x9c: {  	_ =	strace s6  }
0x9d: {  	_ =	strace $0x8FFFFFFF  }
0x9e: {  	s18 =	sld [smem:$0x3FDB];
	_ =	sdelay $0x1  }
0x9f: {  	s7 =	simm.s32 $_scs_section_size  }
0xa0: {  	s8 =	simm.s32 $_size__tile_overlayer_lowered;
	s9 =	simm.s32 $_tile_overlayer_lowered  }
0xa1: {  	s21 =	simm.s32 $0x1BFF;
	s20 =	sshll.u32 s9, $0x1;
	s6 =	sadd.s32 s7, s18  }
0xa2: {  	s10 =	simm.s32 $0x0;
	s19 =	sshll.u32 s8, $0x1;
	s8 =	sadd.s32 s20, s6  }
0xa3: {  	[timem:s10], [sflag:s21] =	dma.local [hbm:s8], s19  }
0xa4: {  	_ =	swait.ge [sflag:s21], s19  }
0xa5: {  	s7 =	ssub.s32 $0x0, s19;
	[sflag:s21] =	ssyncset.done $0x0  }
0xa6: {  	[sflag:s21] =	ssyncadd.s32 s7;
	_ =	sdelay $0x1  }
0xa7: {  	s22 =	simm.s32 $0x1B8B  }
0xa8: {  	_ =	swait.ge [sflag:s22], $0x1  }
0xa9: {  	[sflag:s22] =	ssyncset.done $0x0  }
0xaa: {  	s23 =	simm.s32 $0x1B8E;
	[sflag:s22] =	ssyncadd.s32 $0xFFFFFFFF  }
0xab: {  	s24 =	simm.s32 $execute0_lowered;
	[smem:$0x3FD2] =	sst s23  }
0xac: {  	s7 =	sshll.u32 s24, $0x1;
	_ =	strace $0x80000046;
	[dreg:$0x1] =	wrdreg $0xFFFFFFFF  }
0xad: {  	s25 =	simm.s32 $_size_execute0_lowered;
	s6 =	sadd.s32 s6, s7;
	[dreg:$0x0] =	wrdreg $0x0  }
0xae: {  	s7 =	sshll.u32 s25, $0x1;
	[dreg:$0x2] =	wrdreg s6  }
0xaf: {  	[dreg:$0x3] =	wrdreg s7  }
0xb0: {  	[dreg:$0x4] =	wrdreg $0xC0  }
0xb1: {  	_ =	task [dreg:s10], $0x5FFFF  }
0xb2: {  	[dreg:$0x1] =	wrdreg $0xFFFFFFFF  }
0xb3: {  	[dreg:$0x0] =	wrdreg $0x60  }
0xb4: {  	[dreg:$0x2] =	wrdreg s0  }
0xb5: {  	[dreg:$0x3] =	wrdreg s2  }
0xb6: {  	[dreg:$0x4] =	wrdreg s3  }
0xb7: {  	[dreg:$0x5] =	wrdreg s4  }
0xb8: {  	[dreg:$0x6] =	wrdreg s15  }
0xb9: {  	[dreg:$0x7] =	wrdreg s16  }
0xba: {  	[dreg:$0x8] =	wrdreg $0x9  }
0xbb: {  	_ =	task.clear_ibuf [dreg:s10], $0x9FFFF;
	_ =	strace $0x90000046  }
0xbc: {  	s26 =	simm.s32 $0x9;
	_ =	strace $0x80000048  }
0xbd: {  	_ =	swait.ge [sflag:s26], $0x1  }
0xbe: {  	[sflag:s26] =	ssyncadd.s32 $0xFFFFFFFF  }
0xbf: {  	_ =	strace $0x90000048  }
0xc0: {  	_ =	sfence  }
0xc1: {  	s28 =	sld [smem:$0x0];
	_ =	sdelay $0x1  }
0xc2: {  	s29 =	srdreg.scid  }
0xc3: {  	s30 =	sshll.u32 s29, $0xD;
	s31 =	sshrl.u32 s29, $0x2  }
0xc4: {  	s1 =	sand.u32 $0x1, s29;
	s2 =	sand.u32 $0x4000, s30;
	s0 =	sadd.s32 s31, s28  }
0xc5: {  	s1 =	sor.u32 s2, s1;
	s0 =	sshll.u32 s0, $0x11  }
0xc6: {  	s0 =	sor.u32 s0, s1  }
0xc7: {  	s0 =	sadd.s32 $0x8F2B, s0  }
0xc8: {  	[sflag:s0] =	ssyncadd.remote.s32 $0x1  }
0xc9: {  	_ =	sfence.sel $0xFFFF  }
0xca: {  	[dreg:$0x0] =	wrdreg $0xFFFFFFFF;
	(pc) =	sbr.abs _section_cstart, $3  }
0xcb: {  	[dreg:$0x1] =	wrdreg $0xFFFFFFFF  }
0xcc: {  	_ =	task.clear_ibuf [dreg:s10], $0x2FFFF;
	_ =	strace $0x9FFFFFFF  }
0xcd: {  	(tm) =	ssettm $0x7FFFFFFF  }
tec
execute0_lowered:
.L_overlay_start_1:
0x0: {  	(tag) =	ssettag $0x1  }
0x1: {  	s5 =	rddreg [dreg:$0x0]  }
0x2: {  	s8 =	rddreg [dreg:$0x1]  }
0x3: {  	s7 =	rddreg [dreg:$0x2]  }
0x4: {  	s6 =	rddreg [dreg:$0x3]  }
0x5: {  	s2 =	rddreg [dreg:$0x4]  }
0x6: {  	s4 =	rddreg [dreg:$0x5]  }
0x7: {  	s0 =	rddreg [dreg:$0x6];
	s3 =	simm.s32 $0x0;
	s1 =	stileid.u32  }
0x8: {  	s10 =	simm.s32 $0x400;
	[smem:$0x7FF] =	sst s3;
	s9 =	sshll.u32 s1, $0x7  }
0x9: {  	s11 =	simm.s32 $0x8000;
	s17 =	simm.s32 $0x4;
	_ =	strace $0x80000047;
	v0 =	vmov s9  }
0xa: {  	[tilespmem:s3], [sflag:$0x4] =	stream.strided.gather [hbm4b:s5+s10], $0xC00, s11, s10, $0x38;
	[tilespmem:$0x1E00] =	vst v63  }
0xb: {  	_ =	swait.ge [sflag:s17], $0xC00  }
0xc: {  	[sflag:s17] =	ssyncset.done $0x0  }
0xd: {  	[sflag:s17] =	ssyncadd.s32 $0xFFFFF400  }
0xe: {  	v0 =	vld.idx.msk [tilespmem:v0+s3+$0x0], $0xffff;
	_ =	sdelay $0x4  }
0xf: {  	v1 =	vand.u32 $0xFFFFFF80, v0  }
0x10: {  	v1 =	vxor.u32 $0x80000000, v1  }
0x11: {  	(xrf0) =	vmax.scan.msk.u32 $0xffff, v1;
	_ =	sdelay $0x5  }
0x12: {  	v1, _, _ =	vpop (xrf0)  }
0x13: {  	(v2sf) =	vpush v1, $0xF;
	_ =	sdelay $0xe  }
0x14: {  	s18 =	spop (v2sf)  }
0x15: {  	s19 =	smul.u32 $0x187000, s1;
	s5 =	sshll.u32 s18, $0x3  }
0x16: {  	s21 =	simm.s32 $0xC3800;
	s22 =	simm.s32 $0xD00;
	s5 =	sand.u32 $0xFFFFFC00, s5  }
0x17: {  	p0 =	sgt.u32 s1, $0x9;
	s9 =	sadd.s32 $0xFFFFFFF8, s1;
	s5 =	sadd.s32 s19, s5  }
0x18: {  	p2 =	sgt.u32 @!p0 s1, $0x7;
	s23 =	sshll.u32 s9, $0x7;
	s5 =	sshrl.u32 s5, $0x3  }
0x19: {  	s11 =	sor.u32 $0x10, s1;
	p1 =	por !p2, p0;
	s20 =	sadd.s32 s7, s5  }
0x1a: {  	[tilespmem:s22], [sflag:$0x1] =	stream.strided.gather [hbm4b:s20+s10], $0x800, s21, s10, $0x38;
	[tilespmem:$0x1E00] =	vst v63  }
0x1b: {  	s12 =	sshll.u32 s11, $0x7;
	s13 =	simm.s32 @!p1 $0x0;
	s14 =	simm.s32 @!p1 $0xC00  }
0x1c: {  	v1 =	vmov s23;
	[tilespmem:s14], [sflag:$0x4] =	stream.linear.gather @!p1 [hbm4b:s8+s13], $0x100, $0x38;
	[tilespmem:$0x1E00] =	vst v63  }
0x1d: {  	v2 =	vmov s12;
	s8 =	simm.s32 @!p1 $0x4  }
0x1e: {  	_ =	swait.ge @!p1 [sflag:s8], $0x100  }
0x1f: {  	[sflag:s8] =	ssyncset.done @!p1 $0x0  }
0x20: {  	p2 =	por p2, p0;
	[sflag:s8] =	ssyncadd.s32 @!p1 $0xFFFFFF00  }
0x21: {  	s8 =	simm.s32 @!p2 $0x0;
	v1 =	vld.idx.msk @!p1 [tilespmem:v1+s14+$0x0], $0xffff  }
0x22: {  	v2 =	vld.idx.msk @!p2 [tilespmem:v2+s8+$0x0], $0xffff;
	_ =	sdelay $0x4  }
0x23: {  	v1 =	vpsel p1, v2, v1  }
0x24: {  	v2 =	vand.u32 @!p0 $0xFFFFFF80, v1  }
0x25: {  	v2 =	vxor.u32 @!p0 $0x80000000, v2  }
0x26: {  	(xrf0) =	vmax.scan.msk.u32 @!p0 $0xffff, v2;
	_ =	sdelay $0x5  }
0x27: {  	v2, _, _ =	vpop @!p0 (xrf0)  }
0x28: {  	(v2sf) =	vpush @!p0 v2, $0xF;
	_ =	sdelay $0xe  }
0x29: {  	s24 =	sshll.u32 s9, $0x1;
	s9 =	smov.u32 @p1 s11;
	s10 =	spop @!p0 (v2sf)  }
0x2a: {  	s9 =	smul.u32 @!p0 $0x187000, s9;
	s10 =	sshll.u32 @!p0 s10, $0x3  }
0x2b: {  	s10 =	sand.u32 @!p0 $0xFFFFFC00, s10  }
0x2c: {  	v2 =	vlaneseq.u32 @!p0;
	s9 =	sadd.s32 @!p0 s9, s10  }
0x2d: {  	s6 =	smov.u32 @p1 s7;
	v2 =	vmul.u32 @!p0 $0x80, v2;
	s10 =	simm.s32 @!p0 $0x1500;
	s7 =	sshrl.u32 @!p0 s9, $0x3  }
0x2e: {  	v1 =	vand.u32 @!p0 $0x7F, v1;
	s9 =	simm.s32 @!p0 $0xC3800;
	s6 =	sadd.s32 @!p0 s6, s7;
	s7 =	simm.s32 @!p0 $0x400  }
0x2f: {  	v1 =	vor.u32 @!p0 v2, v1;
	[tilespmem:s10], [sflag:$0x2] =	stream.strided.gather @!p0 [hbm4b:s6+s7], $0x800, s9, s7, $0x38;
	[tilespmem:$0x1E00] =	vst v63  }
0x30: {  	s6 =	simm.s32 @!p0 $0x2  }
0x31: {  	_ =	swait.ge @!p0 [sflag:s6], $0x800  }
0x32: {  	[sflag:s6] =	ssyncset.done @!p0 $0x0  }
0x33: {  	[sflag:s6] =	ssyncadd.s32 @!p0 $0xFFFFF800  }
0x34: {  	v1 =	vld.idx.msk @!p0 [tilespmem:v1+s10+$0x0], $0xffff;
	_ =	sdelay $0x2  }
0x35: {  	s25 =	sand.u32 $0x1FFFFFFE, s24;
	s26 =	sshll.u32 s11, $0x1  }
0x36: {  	s4 =	sadd.s32 s4, s25;
	s6 =	sadd.s32 s2, s26  }
0x37: {  	s7 =	simm.s32 @!p0 $0x1D80;
	s4 =	smov.u32 @p1 s6;
	s6 =	simm.s32 @!p0 $0x0;
	[tilespmem:$0x1D80] =	vst @!p0 v1  }
0x38: {  	v63 =	vlaneseq.u32;
	[hbm4b:s4+s6] =	stream.linear.scatter @!p0 [tilespmem:s7], [sflag:$0x3], $0x10, $0x38;
	[tilespmem:$0x1E00] =	vst v63  }
0x39: {  	v1 =	vmul.u32 $0x80, v63;
	s4 =	simm.s32 @!p0 $0x3  }
0x3a: {  	v0 =	vand.u32 $0x7F, v0;
	_ =	swait.ge @!p0 [sflag:s4], $0x10  }
0x3b: {  	v0 =	vor.u32 v1, v0;
	[sflag:s4] =	ssyncset.done @!p0 $0x0  }
0x3c: {  	s28 =	simm.s32 $0x1;
	[sflag:s4] =	ssyncadd.s32 @!p0 $0xFFFFFFF0  }
0x3d: {  	_ =	swait.ge [sflag:s28], $0x800  }
0x3e: {  	[sflag:s28] =	ssyncset.done $0x0  }
0x3f: {  	[sflag:s28] =	ssyncadd.s32 $0xFFFFF800  }
0x40: {  	v0 =	vld.idx.msk [tilespmem:v0+s22+$0x0], $0xffff;
	_ =	sdelay $0x3  }
0x41: {  	s29 =	sshll.u32 s1, $0x1  }
0x42: {  	s30 =	simm.s32 $0x1D00;
	s31 =	simm.s32 $0x3;
	s2 =	sadd.s32 s2, s29;
	[tilespmem:$0x1D00] =	vst v0  }
0x43: {  	[hbm4b:s2+s3] =	stream.linear.scatter [tilespmem:s30], [sflag:$0x3], $0x10, $0x38;
	[tilespmem:$0x1E00] =	vst v63  }
0x44: {  	_ =	swait.ge [sflag:s31], $0x10  }
0x45: {  	[sflag:s31] =	ssyncset.done $0x0  }
0x46: {  	[sflag:s31] =	ssyncadd.s32 $0xFFFFFFF0  }
0x47: {  	_ =	sfence.sel $0x180000  }
0x48: {  	[bflag:$0x0] =	sbarrier.arrive $0xFFFF  }
0x49: {  	p0 =	sne.s32 s1, $0x0;
	_ =	strace $0x90000047  }
0x4a: {  	s0 =	sadd.s32 @!p0 $0x100000, s0;
	[bflag:$0x2] =	sbarrier.arrive $0xFFFF  }
0x4b: {  	[sflag:s0] =	ssyncadd.tile.s32 @!p0 $0x1;
	_ =	shalt  }
.Lfunc_end2:
_tile_overlayer_lowered:
.L_overlay_start_2:
0x4c: {  	(tag) =	ssettag $0x2  }
0x4d: {  	s0 =	rddreg [dreg:$0x0];
	s2 =	stileid.u32  }
0x4e: {  	s1 =	rddreg [dreg:$0x1];
	p0 =	sne.s32 s2, $0x0  }
0x4f: {  	s3 =	rddreg [dreg:$0x2];
	[bflag:$0x3] =	sbarrier.arrive $0xFFFF;
	s2 =	simm.s32 @!p0 $0x1C04  }
0x50: {  	[timem:s3], [sflag:s2] =	dma.local @!p0 [hbm:s0], s1  }
0x51: {  	s0 =	simm.s32 @!p0 $0x4  }
0x52: {  	_ =	swait.ge @!p0 [sflag:s0], s1  }
0x53: {  	s1 =	ssub.s32 @!p0 $0x0, s1;
	[sflag:s0] =	ssyncset.done @!p0 $0x0  }
0x54: {  	[sflag:s0] =	ssyncadd.s32 @!p0 s1  }
0x55: {  	[bflag:$0x3] =	sbarrier.arrive $0xFFFF  }
0x56: {  	_ =	shalt  }

</sc_bundles>
